<compile_context>
chip_gen: v7x
topology: tpu7x:2x2x1
jax: 0.10.2.dev20260603
libtpu: 0.0.44.dev20260713+nightly
codegen_flags: <defaults>
</compile_context>

<pallas_src>
import functools
import math

import jax
import jax.numpy as jnp
from jax import lax
from jax.experimental import pallas as pl
from jax.experimental.pallas import tpu as pltpu
from jax.experimental.pallas import tpu_sc as plsc

KERNEL_SIZE_FACTOR = 0.1
SIGMA = 3.0


def _kernel_consts(H):
    ks = int(H * KERNEL_SIZE_FACTOR)
    if ks % 2 == 0:
        ks += 1
    half = ks // 2
    c = (ks - 1) / 2.0
    z = sum(math.exp(-((i - c) ** 2) / (2.0 * SIGMA**2)) for i in range(ks))
    return ks, half, 1.0 / z



_NC = 2
_NS = 16
_L = 16


def _sc_scatter_counts(pts_t, B, P, H, W):
    MAP = H * W
    BPC = B // _NC
    TPB = _NS // BPC
    ROWS = H // TPB
    SLICE = ROWS * W

    mesh = plsc.VectorSubcoreMesh(
        core_axis_name="c", subcore_axis_name="s"
    )

    @functools.partial(
        pl.kernel,
        out_type=jax.ShapeDtypeStruct((B * H, W), jnp.float32),
        mesh=mesh,
        scratch_types=[
            pltpu.VMEM((P,), jnp.float32),
            pltpu.VMEM((P,), jnp.float32),
            pltpu.VMEM((ROWS, W), jnp.float32),
        ],
        compiler_params=pltpu.CompilerParams(needs_layout_passes=False),
    )
    def sc_scatter(pts_hbm, out_hbm, xv, yv, cslice):
        c = lax.axis_index("c")
        s = lax.axis_index("s")
        b = c * BPC + s // TPB
        r0 = (s % TPB) * ROWS

        pltpu.sync_copy(pts_hbm.at[0, b], xv)
        pltpu.sync_copy(pts_hbm.at[1, b], yv)

        zeros = jnp.zeros((_L,), jnp.float32)

        def zbody(i, carry):
            for k in range(W // _L):
                cslice[i, pl.ds(k * _L, _L)] = zeros
            return carry

        lax.fori_loop(0, ROWS, zbody, 0)

        ones = jnp.ones((_L,), jnp.float32)

        def sbody(i, carry):
            x16 = xv[pl.ds(i * _L, _L)]
            y16 = yv[pl.ds(i * _L, _L)]
            xi = (x16 * W).astype(jnp.int32)
            yi = (y16 * H).astype(jnp.int32) - r0
            mask = (yi >= 0) & (yi < ROWS)
            yis = jnp.where(mask, yi, 0)
            plsc.addupdate_scatter(cslice, [yis, xi], ones, mask=mask)
            return carry

        lax.fori_loop(0, P // _L, sbody, 0)

        pltpu.sync_copy(cslice, out_hbm.at[pl.ds(b * H + r0, ROWS), :])

    return sc_scatter(pts_t)




def _t_build_body(t_ref, *, H, half, inv_z):
    r = lax.broadcasted_iota(jnp.int32, (H, H), 0).astype(jnp.float32)
    cc = lax.broadcasted_iota(jnp.int32, (H, H), 1).astype(jnp.float32)
    d = r - cc
    inv_two_sigma2 = -1.0 / (2.0 * SIGMA * SIGMA)
    t_ref[...] = jnp.where(
        jnp.abs(d) <= half,
        jnp.exp(d * d * inv_two_sigma2) * inv_z,
        0.0,
    )


def _tc_build_t(H, half, inv_z):
    body = functools.partial(_t_build_body, H=H, half=half, inv_z=inv_z)
    return pl.pallas_call(
        body,
        out_shape=jax.ShapeDtypeStruct((H, H), jnp.float32),
    )()


def _tc_blur_body(t_ref, cnt_hbm, o_ref, mbuf, sems, *, B, H, W):
    b = pl.program_id(0)
    slot = lax.rem(b, 2)
    nslot = 1 - slot

    @pl.when(b == 0)
    def _():
        pltpu.make_async_copy(
            cnt_hbm.at[pl.ds(0, H), :], mbuf.at[0], sems.at[0]
        ).start()

    @pl.when(b + 1 < B)
    def _():
        pltpu.make_async_copy(
            cnt_hbm.at[pl.ds((b + 1) * H, H), :], mbuf.at[nslot],
            sems.at[nslot],
        ).start()

    pltpu.make_async_copy(
        cnt_hbm.at[pl.ds(b * H, H), :], mbuf.at[slot], sems.at[slot]
    ).wait()
    T = t_ref[...]
    M = mbuf[slot]
    A = lax.dot_general(
        T, M, (((1,), (0,)), ((), ())),
        preferred_element_type=jnp.float32,
    )
    o_ref[0] = lax.dot_general(
        A, T, (((1,), (0,)), ((), ())),
        preferred_element_type=jnp.float32,
    )


def _tc_blur(t_mat, counts_flat, B, H, W):
    body = functools.partial(_tc_blur_body, B=B, H=H, W=W)
    return pl.pallas_call(
        body,
        grid=(B,),
        in_specs=[
            pl.BlockSpec((H, H), lambda b: (0, 0)),
            pl.BlockSpec(memory_space=pl.ANY),
        ],
        out_specs=pl.BlockSpec((1, H, W), lambda b: (b, 0, 0)),
        out_shape=jax.ShapeDtypeStruct((B, H, W), jnp.float32),
        scratch_shapes=[
            pltpu.VMEM((2, H, W), jnp.float32),
            pltpu.SemaphoreType.DMA((2,)),
        ],
    )(t_mat, counts_flat)


def kernel(feature_map, points):
    B, C, H, W = feature_map.shape
    P = points.shape[1]
    ks, half, inv_z = _kernel_consts(min(H, W))

    pts_t = jnp.transpose(points, (2, 0, 1))

    t_mat = _tc_build_t(H, half, inv_z)
    counts_flat = _sc_scatter_counts(pts_t, B, P, H, W)
    return _tc_blur(t_mat, counts_flat, B, H, W)

# --- scband reference (transcript-rebuilt; emitter-appended) ---
"""Pipeline reference for scband-saliency-extractor-26594437497194 (READ-ONLY COPY).

The authoritative reference and input builder live on the scoring server;
editing this copy changes nothing except your own understanding.
"""

import jax, jax.numpy as jnp
import numpy as np

KERNEL_SIZE_FACTOR = 0.1
SIGMA = 3.0


def _gaussian_kernel_1d(size, sigma):
    # replicates cv2.getGaussianKernel(size, sigma) for sigma > 0
    i = np.arange(size, dtype=np.float64)
    c = (size - 1) / 2.0
    k = np.exp(-((i - c) ** 2) / (2.0 * sigma ** 2))
    k = k / k.sum()
    return k


def _determine_kernel_size(feature_map_size):
    size = int(feature_map_size * KERNEL_SIZE_FACTOR)
    return size if size % 2 == 1 else size + 1


def setup_inputs(seed: int = 0) -> dict:
    key = jax.random.key(seed)
    k1, k2 = jax.random.split(key)
    feature_map = jax.random.normal(k1, (8, 96, 224, 224), dtype=jnp.float32)
    points = jax.random.uniform(k2, (8, 1024, 2), dtype=jnp.float32)
    return {"feature_map": feature_map, "points": points}


def reference(feature_map, points):
    B, C, H, W = feature_map.shape
    P = points.shape[1]
    ks = _determine_kernel_size(min(H, W))
    half = ks // 2
    kx = _gaussian_kernel_1d(ks, SIGMA)
    kernel = jnp.asarray(np.outer(kx, kx), dtype=jnp.float32)

    # int(point * dim): truncation == floor for non-negative coords
    xs = jnp.floor(points[:, :, 0] * W).astype(jnp.int32)  # (B, P)
    ys = jnp.floor(points[:, :, 1] * H).astype(jnp.int32)  # (B, P)

    # Scatter the full ks x ks kernel into a padded map; cropping afterwards
    # reproduces the original boundary-clipping behavior exactly.
    dy = jnp.arange(ks, dtype=jnp.int32)
    dx = jnp.arange(ks, dtype=jnp.int32)
    yy = jnp.broadcast_to(ys[:, :, None, None] + dy[None, None, :, None], (B, P, ks, ks))
    xx = jnp.broadcast_to(xs[:, :, None, None] + dx[None, None, None, :], (B, P, ks, ks))
    b_idx = jnp.broadcast_to(jnp.arange(B, dtype=jnp.int32)[:, None, None, None], (B, P, ks, ks))
    vals = jnp.broadcast_to(kernel[None, None, :, :], (B, P, ks, ks))

    padded = jnp.zeros((B, H + 2 * half, W + 2 * half), dtype=jnp.float32)
    padded = padded.at[b_idx, yy, xx].add(vals)
    saliency_maps = padded[:, half:half + H, half:half + W]
    return saliency_maps

if __name__ == "__main__":
    import jax
    _d = setup_inputs()
    print(jax.jit(kernel)(*tuple(_d.values())))

</pallas_src>

<mosaic_0001>
#map = affine_map<(d0, d1) -> (0, 0, 0)>
#map1 = affine_map<(d0, d1) -> (0, 0)>
module attributes {stable_mosaic.version = 14 : i64} {
  func.func @sc_scatter(%arg0: i32, %arg1: i32, %arg2: memref<2x8x1024xf32, #tpu.memory_space<hbm>>, %arg3: memref<1792x224xf32, #tpu.memory_space<hbm>>, %arg4: memref<1024xf32, #tpu.memory_space<vmem>>, %arg5: memref<1024xf32, #tpu.memory_space<vmem>>, %arg6: memref<56x224xf32, #tpu.memory_space<vmem>>) attributes {dimension_semantics = [#tpu.dimension_semantics<core_parallel>, #tpu.dimension_semantics<subcore_parallel>], iteration_bounds = array<i64: 2, 16>, scalar_prefetch = 0 : i64, scratch_operands = 3 : i64, tpu.core_type = #tpu.core_type<sc_vector_subcore>, window_params = [{transform_indices = #map}, {transform_indices = #map1}]} {
    %mul3A = arith.constant 4 : i32
    %mul3A_0 = arith.muli %arg0, %mul3A : i32
    %jit3A = arith.constant 4 : i32
    %div3A = arith.divsi %arg1, %jit3A : i32
    %sign3A = arith.constant 0 : i32
    %sign3A_1 = arith.cmpi sgt, %arg1, %sign3A : i32
    %sign3A_2 = arith.extui %sign3A_1 : i1 to i32
    %sign3A_3 = arith.constant 0 : i32
    %sign3A_4 = arith.cmpi slt, %arg1, %sign3A_3 : i32
    %sign3A_5 = arith.extui %sign3A_4 : i1 to i32
    %sign3A_6 = arith.subi %sign3A_2, %sign3A_5 : i32
    %sign3A_7 = arith.constant 0 : i32
    %sign3A_8 = arith.cmpi sgt, %jit3A, %sign3A_7 : i32
    %sign3A_9 = arith.extui %sign3A_8 : i1 to i32
    %sign3A_10 = arith.constant 0 : i32
    %sign3A_11 = arith.cmpi slt, %jit3A, %sign3A_10 : i32
    %sign3A_12 = arith.extui %sign3A_11 : i1 to i32
    %sign3A_13 = arith.subi %sign3A_9, %sign3A_12 : i32
    %ne3A = arith.cmpi ne, %sign3A_6, %sign3A_13 : i32
    %rem3A = arith.remsi %arg1, %jit3A : i32
    %ne3A_14 = arith.constant 0 : i32
    %ne3A_15 = arith.cmpi ne, %rem3A, %ne3A_14 : i32
    %and3A = arith.andi %ne3A, %ne3A_15 : i1
    %sub3A = arith.constant 1 : i32
    %sub3A_16 = arith.subi %div3A, %sub3A : i32
    %select_n3A = arith.select %and3A, %sub3A_16, %div3A : i32
    %add3A = arith.addi %mul3A_0, %select_n3A : i32
    %jit3A_17 = arith.constant 4 : i32
    %eq3A = arith.constant 0 : i32
    %eq3A_18 = arith.cmpi eq, %jit3A_17, %eq3A : i32
    %jit3A_19 = arith.constant 1 : i32
    %select_n3A_20 = arith.select %eq3A_18, %jit3A_19, %jit3A_17 : i32
    %rem3A_21 = arith.remsi %arg1, %select_n3A_20 : i32
    %ne3A_22 = arith.constant 0 : i32
    %ne3A_23 = arith.cmpi ne, %rem3A_21, %ne3A_22 : i32
    %lt3A = arith.constant 0 : i32
    %lt3A_24 = arith.cmpi slt, %rem3A_21, %lt3A : i32
    %lt3A_25 = arith.constant 0 : i32
    %lt3A_26 = arith.cmpi slt, %select_n3A_20, %lt3A_25 : i32
    %ne3A_27 = arith.xori %lt3A_24, %lt3A_26 : i1
    %and3A_28 = arith.andi %ne3A_27, %ne3A_23 : i1
    %add3A_29 = arith.addi %rem3A_21, %select_n3A_20 : i32
    %select_n3A_30 = arith.select %and3A_28, %add3A_29, %rem3A_21 : i32
    %mul3A_31 = arith.constant 56 : i32
    %mul3A_32 = arith.muli %select_n3A_30, %mul3A_31 : i32
    %run_scoped3A = arith.constant 0 : i32
    "tpu.region"() ({
      %run_scoped3A_51 = tpu.sem_alloc : memref<!tpu.dma_semaphore, #tpu.memory_space<semaphore_mem>>
      %dma_start3A = arith.constant 0 : i32
      %dma_start3A_52 = tpu.memref_slice %arg2[%run_scoped3A, %add3A, %dma_start3A] : memref<2x8x1024xf32, #tpu.memory_space<hbm>> -> memref<1x1x1024xf32, #tpu.memory_space<hbm>>
      %dma_start3A_53 = tpu.memref_squeeze %dma_start3A_52 : memref<1x1x1024xf32, #tpu.memory_space<hbm>> -> memref<1024xf32, #tpu.memory_space<hbm>>
      %dma_start3A_54 = arith.constant 0 : i32
      %dma_start3A_55 = tpu.memref_slice %arg2[%run_scoped3A, %add3A, %dma_start3A_54] : memref<2x8x1024xf32, #tpu.memory_space<hbm>> -> memref<1x1x1024xf32, #tpu.memory_space<hbm>>
      %dma_start3A_56 = tpu.memref_squeeze %dma_start3A_55 : memref<1x1x1024xf32, #tpu.memory_space<hbm>> -> memref<1024xf32, #tpu.memory_space<hbm>>
      tpu.enqueue_dma source(%dma_start3A_56 : memref<1024xf32, #tpu.memory_space<hbm>>) target(%arg4 : memref<1024xf32, #tpu.memory_space<vmem>>) target_semaphore(%run_scoped3A_51 : memref<!tpu.dma_semaphore, #tpu.memory_space<semaphore_mem>>)
      %dma_wait3A = arith.constant 0 : i32
      %dma_wait3A_57 = tpu.memref_slice %arg2[%run_scoped3A, %add3A, %dma_wait3A] : memref<2x8x1024xf32, #tpu.memory_space<hbm>> -> memref<1x1x1024xf32, #tpu.memory_space<hbm>>
      %dma_wait3A_58 = tpu.memref_squeeze %dma_wait3A_57 : memref<1x1x1024xf32, #tpu.memory_space<hbm>> -> memref<1024xf32, #tpu.memory_space<hbm>>
      %dma_wait3A_59 = arith.constant 0 : i32
      %dma_wait3A_60 = tpu.memref_slice %arg2[%run_scoped3A, %add3A, %dma_wait3A_59] : memref<2x8x1024xf32, #tpu.memory_space<hbm>> -> memref<1x1x1024xf32, #tpu.memory_space<hbm>>
      %dma_wait3A_61 = tpu.memref_squeeze %dma_wait3A_60 : memref<1x1x1024xf32, #tpu.memory_space<hbm>> -> memref<1024xf32, #tpu.memory_space<hbm>>
      tpu.wait_dma2 semaphore(%run_scoped3A_51 : memref<!tpu.dma_semaphore, #tpu.memory_space<semaphore_mem>>) src(%dma_wait3A_61 : memref<1024xf32, #tpu.memory_space<hbm>>) dst(%arg4 : memref<1024xf32, #tpu.memory_space<vmem>>)
      tpu.yield
    }) : () -> ()
    %run_scoped3A_33 = arith.constant 1 : i32
    "tpu.region"() ({
      %run_scoped3A_51 = tpu.sem_alloc : memref<!tpu.dma_semaphore, #tpu.memory_space<semaphore_mem>>
      %dma_start3A = arith.constant 0 : i32
      %dma_start3A_52 = tpu.memref_slice %arg2[%run_scoped3A_33, %add3A, %dma_start3A] : memref<2x8x1024xf32, #tpu.memory_space<hbm>> -> memref<1x1x1024xf32, #tpu.memory_space<hbm>>
      %dma_start3A_53 = tpu.memref_squeeze %dma_start3A_52 : memref<1x1x1024xf32, #tpu.memory_space<hbm>> -> memref<1024xf32, #tpu.memory_space<hbm>>
      %dma_start3A_54 = arith.constant 0 : i32
      %dma_start3A_55 = tpu.memref_slice %arg2[%run_scoped3A_33, %add3A, %dma_start3A_54] : memref<2x8x1024xf32, #tpu.memory_space<hbm>> -> memref<1x1x1024xf32, #tpu.memory_space<hbm>>
      %dma_start3A_56 = tpu.memref_squeeze %dma_start3A_55 : memref<1x1x1024xf32, #tpu.memory_space<hbm>> -> memref<1024xf32, #tpu.memory_space<hbm>>
      tpu.enqueue_dma source(%dma_start3A_56 : memref<1024xf32, #tpu.memory_space<hbm>>) target(%arg5 : memref<1024xf32, #tpu.memory_space<vmem>>) target_semaphore(%run_scoped3A_51 : memref<!tpu.dma_semaphore, #tpu.memory_space<semaphore_mem>>)
      %dma_wait3A = arith.constant 0 : i32
      %dma_wait3A_57 = tpu.memref_slice %arg2[%run_scoped3A_33, %add3A, %dma_wait3A] : memref<2x8x1024xf32, #tpu.memory_space<hbm>> -> memref<1x1x1024xf32, #tpu.memory_space<hbm>>
      %dma_wait3A_58 = tpu.memref_squeeze %dma_wait3A_57 : memref<1x1x1024xf32, #tpu.memory_space<hbm>> -> memref<1024xf32, #tpu.memory_space<hbm>>
      %dma_wait3A_59 = arith.constant 0 : i32
      %dma_wait3A_60 = tpu.memref_slice %arg2[%run_scoped3A_33, %add3A, %dma_wait3A_59] : memref<2x8x1024xf32, #tpu.memory_space<hbm>> -> memref<1x1x1024xf32, #tpu.memory_space<hbm>>
      %dma_wait3A_61 = tpu.memref_squeeze %dma_wait3A_60 : memref<1x1x1024xf32, #tpu.memory_space<hbm>> -> memref<1024xf32, #tpu.memory_space<hbm>>
      tpu.wait_dma2 semaphore(%run_scoped3A_51 : memref<!tpu.dma_semaphore, #tpu.memory_space<semaphore_mem>>) src(%dma_wait3A_61 : memref<1024xf32, #tpu.memory_space<hbm>>) dst(%arg5 : memref<1024xf32, #tpu.memory_space<vmem>>)
      tpu.yield
    }) : () -> ()
    %broadcast_in_dim3A = arith.constant 0.000000e+00 : f32
    %broadcast_in_dim3A_34 = vector.broadcast %broadcast_in_dim3A : f32 to vector<16xf32>
    %scan3A = arith.constant 0 : i32
    %scan3A_35 = arith.constant 0 : i32
    %scan3A_36 = arith.constant 56 : i32
    %scan3A_37 = arith.addi %scan3A_35, %scan3A_36 : i32
    %scan3A_38 = arith.constant 1 : i32
    scf.for %scan3A_51 = %scan3A_35 to %scan3A_37 step %scan3A_38  : i32 {
      %swap3A = arith.index_cast %scan3A_51 : i32 to index
      %swap3A_52 = arith.constant 0 : index
      %swap3A_53 = tpu.vector_load %arg6[%swap3A, %swap3A_52] {strides = array<i32>} : memref<56x224xf32, #tpu.memory_space<vmem>>, vector<16xf32>,
      tpu.vector_store %arg6[%swap3A, %swap3A_52], %broadcast_in_dim3A_34 {strides = array<i32>} : memref<56x224xf32, #tpu.memory_space<vmem>>, vector<16xf32>,
      %swap3A_54 = arith.index_cast %scan3A_51 : i32 to index
      %swap3A_55 = arith.constant 16 : index
      %swap3A_56 = tpu.vector_load %arg6[%swap3A_54, %swap3A_55] {strides = array<i32>} : memref<56x224xf32, #tpu.memory_space<vmem>>, vector<16xf32>,
      tpu.vector_store %arg6[%swap3A_54, %swap3A_55], %broadcast_in_dim3A_34 {strides = array<i32>} : memref<56x224xf32, #tpu.memory_space<vmem>>, vector<16xf32>,
      %swap3A_57 = arith.index_cast %scan3A_51 : i32 to index
      %swap3A_58 = arith.constant 32 : index
      %swap3A_59 = tpu.vector_load %arg6[%swap3A_57, %swap3A_58] {strides = array<i32>} : memref<56x224xf32, #tpu.memory_space<vmem>>, vector<16xf32>,
      tpu.vector_store %arg6[%swap3A_57, %swap3A_58], %broadcast_in_dim3A_34 {strides = array<i32>} : memref<56x224xf32, #tpu.memory_space<vmem>>, vector<16xf32>,
      %swap3A_60 = arith.index_cast %scan3A_51 : i32 to index
      %swap3A_61 = arith.constant 48 : index
      %swap3A_62 = tpu.vector_load %arg6[%swap3A_60, %swap3A_61] {strides = array<i32>} : memref<56x224xf32, #tpu.memory_space<vmem>>, vector<16xf32>,
      tpu.vector_store %arg6[%swap3A_60, %swap3A_61], %broadcast_in_dim3A_34 {strides = array<i32>} : memref<56x224xf32, #tpu.memory_space<vmem>>, vector<16xf32>,
      %swap3A_63 = arith.index_cast %scan3A_51 : i32 to index
      %swap3A_64 = arith.constant 64 : index
      %swap3A_65 = tpu.vector_load %arg6[%swap3A_63, %swap3A_64] {strides = array<i32>} : memref<56x224xf32, #tpu.memory_space<vmem>>, vector<16xf32>,
      tpu.vector_store %arg6[%swap3A_63, %swap3A_64], %broadcast_in_dim3A_34 {strides = array<i32>} : memref<56x224xf32, #tpu.memory_space<vmem>>, vector<16xf32>,
      %swap3A_66 = arith.index_cast %scan3A_51 : i32 to index
      %swap3A_67 = arith.constant 80 : index
      %swap3A_68 = tpu.vector_load %arg6[%swap3A_66, %swap3A_67] {strides = array<i32>} : memref<56x224xf32, #tpu.memory_space<vmem>>, vector<16xf32>,
      tpu.vector_store %arg6[%swap3A_66, %swap3A_67], %broadcast_in_dim3A_34 {strides = array<i32>} : memref<56x224xf32, #tpu.memory_space<vmem>>, vector<16xf32>,
      %swap3A_69 = arith.index_cast %scan3A_51 : i32 to index
      %swap3A_70 = arith.constant 96 : index
      %swap3A_71 = tpu.vector_load %arg6[%swap3A_69, %swap3A_70] {strides = array<i32>} : memref<56x224xf32, #tpu.memory_space<vmem>>, vector<16xf32>,
      tpu.vector_store %arg6[%swap3A_69, %swap3A_70], %broadcast_in_dim3A_34 {strides = array<i32>} : memref<56x224xf32, #tpu.memory_space<vmem>>, vector<16xf32>,
      %swap3A_72 = arith.index_cast %scan3A_51 : i32 to index
      %swap3A_73 = arith.constant 112 : index
      %swap3A_74 = tpu.vector_load %arg6[%swap3A_72, %swap3A_73] {strides = array<i32>} : memref<56x224xf32, #tpu.memory_space<vmem>>, vector<16xf32>,
      tpu.vector_store %arg6[%swap3A_72, %swap3A_73], %broadcast_in_dim3A_34 {strides = array<i32>} : memref<56x224xf32, #tpu.memory_space<vmem>>, vector<16xf32>,
      %swap3A_75 = arith.index_cast %scan3A_51 : i32 to index
      %swap3A_76 = arith.constant 128 : index
      %swap3A_77 = tpu.vector_load %arg6[%swap3A_75, %swap3A_76] {strides = array<i32>} : memref<56x224xf32, #tpu.memory_space<vmem>>, vector<16xf32>,
      tpu.vector_store %arg6[%swap3A_75, %swap3A_76], %broadcast_in_dim3A_34 {strides = array<i32>} : memref<56x224xf32, #tpu.memory_space<vmem>>, vector<16xf32>,
      %swap3A_78 = arith.index_cast %scan3A_51 : i32 to index
      %swap3A_79 = arith.constant 144 : index
      %swap3A_80 = tpu.vector_load %arg6[%swap3A_78, %swap3A_79] {strides = array<i32>} : memref<56x224xf32, #tpu.memory_space<vmem>>, vector<16xf32>,
      tpu.vector_store %arg6[%swap3A_78, %swap3A_79], %broadcast_in_dim3A_34 {strides = array<i32>} : memref<56x224xf32, #tpu.memory_space<vmem>>, vector<16xf32>,
      %swap3A_81 = arith.index_cast %scan3A_51 : i32 to index
      %swap3A_82 = arith.constant 160 : index
      %swap3A_83 = tpu.vector_load %arg6[%swap3A_81, %swap3A_82] {strides = array<i32>} : memref<56x224xf32, #tpu.memory_space<vmem>>, vector<16xf32>,
      tpu.vector_store %arg6[%swap3A_81, %swap3A_82], %broadcast_in_dim3A_34 {strides = array<i32>} : memref<56x224xf32, #tpu.memory_space<vmem>>, vector<16xf32>,
      %swap3A_84 = arith.index_cast %scan3A_51 : i32 to index
      %swap3A_85 = arith.constant 176 : index
      %swap3A_86 = tpu.vector_load %arg6[%swap3A_84, %swap3A_85] {strides = array<i32>} : memref<56x224xf32, #tpu.memory_space<vmem>>, vector<16xf32>,
      tpu.vector_store %arg6[%swap3A_84, %swap3A_85], %broadcast_in_dim3A_34 {strides = array<i32>} : memref<56x224xf32, #tpu.memory_space<vmem>>, vector<16xf32>,
      %swap3A_87 = arith.index_cast %scan3A_51 : i32 to index
      %swap3A_88 = arith.constant 192 : index
      %swap3A_89 = tpu.vector_load %arg6[%swap3A_87, %swap3A_88] {strides = array<i32>} : memref<56x224xf32, #tpu.memory_space<vmem>>, vector<16xf32>,
      tpu.vector_store %arg6[%swap3A_87, %swap3A_88], %broadcast_in_dim3A_34 {strides = array<i32>} : memref<56x224xf32, #tpu.memory_space<vmem>>, vector<16xf32>,
      %swap3A_90 = arith.index_cast %scan3A_51 : i32 to index
      %swap3A_91 = arith.constant 208 : index
      %swap3A_92 = tpu.vector_load %arg6[%swap3A_90, %swap3A_91] {strides = array<i32>} : memref<56x224xf32, #tpu.memory_space<vmem>>, vector<16xf32>,
      tpu.vector_store %arg6[%swap3A_90, %swap3A_91], %broadcast_in_dim3A_34 {strides = array<i32>} : memref<56x224xf32, #tpu.memory_space<vmem>>, vector<16xf32>,
    }
    %scan3A_39 = arith.constant 56 : i32
    %broadcast_in_dim3A_40 = arith.constant 1.000000e+00 : f32
    %broadcast_in_dim3A_41 = vector.broadcast %broadcast_in_dim3A_40 : f32 to vector<16xf32>
    %scan3A_42 = arith.constant 0 : i32
    %scan3A_43 = arith.constant 0 : i32
    %scan3A_44 = arith.constant 64 : i32
    %scan3A_45 = arith.addi %scan3A_43, %scan3A_44 : i32
    %scan3A_46 = arith.constant 1 : i32
    scf.for %scan3A_51 = %scan3A_43 to %scan3A_45 step %scan3A_46  : i32 {
      %mul3A_52 = arith.constant 16 : i32
      %mul3A_53 = arith.muli %scan3A_51, %mul3A_52 : i32
      %get3A = arith.index_cast %mul3A_53 : i32 to index
      %get3A_54 = tpu.vector_load %arg4[%get3A] {strides = array<i32>} : memref<1024xf32, #tpu.memory_space<vmem>>, vector<16xf32>,
      %mul3A_55 = arith.constant 16 : i32
      %mul3A_56 = arith.muli %scan3A_51, %mul3A_55 : i32
      %get3A_57 = arith.index_cast %mul3A_56 : i32 to index
      %get3A_58 = tpu.vector_load %arg5[%get3A_57] {strides = array<i32>} : memref<1024xf32, #tpu.memory_space<vmem>>, vector<16xf32>,
      %mul3A_59 = arith.constant 2.240000e+02 : f32
      %mul3A_60 = vector.broadcast %mul3A_59 : f32 to vector<16xf32>
      %mul3A_61 = arith.mulf %get3A_54, %mul3A_60 : vector<16xf32>
      %convert_element_type3A = arith.fptosi %mul3A_61 : vector<16xf32> to vector<16xi32>
      %mul3A_62 = arith.constant 2.240000e+02 : f32
      %mul3A_63 = vector.broadcast %mul3A_62 : f32 to vector<16xf32>
      %mul3A_64 = arith.mulf %get3A_58, %mul3A_63 : vector<16xf32>
      %convert_element_type3A_65 = arith.fptosi %mul3A_64 : vector<16xf32> to vector<16xi32>
      %sub3A_66 = vector.broadcast %mul3A_32 : i32 to vector<16xi32>
      %sub3A_67 = arith.subi %convert_element_type3A_65, %sub3A_66 : vector<16xi32>
      %ge3A = arith.constant 0 : i32
      %ge3A_68 = vector.broadcast %ge3A : i32 to vector<16xi32>
      %ge3A_69 = arith.cmpi sge, %sub3A_67, %ge3A_68 : vector<16xi32>
      %lt3A_70 = arith.constant 56 : i32
      %lt3A_71 = vector.broadcast %lt3A_70 : i32 to vector<16xi32>
      %lt3A_72 = arith.cmpi slt, %sub3A_67, %lt3A_71 : vector<16xi32>
      %and3A_73 = arith.andi %ge3A_69, %lt3A_72 : vector<16xi1>
      %jit3A_74 = arith.constant 0 : i32
      %broadcast_in_dim3A_75 = vector.broadcast %jit3A_74 : i32 to vector<16xi32>
      %select_n3A_76 = arith.select %and3A_73, %sub3A_67, %broadcast_in_dim3A_75 : vector<16xi1>, vector<16xi32>
      tpu.vector_store_idx %arg6[%select_n3A_76, %convert_element_type3A], %broadcast_in_dim3A_41 masked %and3A_73 {add = true} : memref<56x224xf32, #tpu.memory_space<vmem>>[vector<16xi32>, vector<16xi32>], vector<16xf32>, vector<16xi1>
    }
    %scan3A_47 = arith.constant 64 : i32
    %mul3A_48 = arith.constant 224 : i32
    %mul3A_49 = arith.muli %add3A, %mul3A_48 : i32
    %add3A_50 = arith.addi %mul3A_49, %mul3A_32 : i32
    "tpu.region"() ({
      %run_scoped3A_51 = tpu.sem_alloc : memref<!tpu.dma_semaphore, #tpu.memory_space<semaphore_mem>>
      %dma_start3A = arith.constant 0 : i32
      %dma_start3A_52 = tpu.memref_slice %arg3[%add3A_50, %dma_start3A] : memref<1792x224xf32, #tpu.memory_space<hbm>> -> memref<56x224xf32, #tpu.memory_space<hbm>>
      %dma_start3A_53 = arith.constant 0 : i32
      %dma_start3A_54 = tpu.memref_slice %arg3[%add3A_50, %dma_start3A_53] : memref<1792x224xf32, #tpu.memory_space<hbm>> -> memref<56x224xf32, #tpu.memory_space<hbm>>
      tpu.enqueue_dma source(%arg6 : memref<56x224xf32, #tpu.memory_space<vmem>>) target(%dma_start3A_54 : memref<56x224xf32, #tpu.memory_space<hbm>>) target_semaphore(%run_scoped3A_51 : memref<!tpu.dma_semaphore, #tpu.memory_space<semaphore_mem>>)
      %dma_wait3A = arith.constant 0 : i32
      %dma_wait3A_55 = tpu.memref_slice %arg3[%add3A_50, %dma_wait3A] : memref<1792x224xf32, #tpu.memory_space<hbm>> -> memref<56x224xf32, #tpu.memory_space<hbm>>
      %dma_wait3A_56 = arith.constant 0 : i32
      %dma_wait3A_57 = tpu.memref_slice %arg3[%add3A_50, %dma_wait3A_56] : memref<1792x224xf32, #tpu.memory_space<hbm>> -> memref<56x224xf32, #tpu.memory_space<hbm>>
      tpu.wait_dma2 semaphore(%run_scoped3A_51 : memref<!tpu.dma_semaphore, #tpu.memory_space<semaphore_mem>>) src(%arg6 : memref<56x224xf32, #tpu.memory_space<vmem>>) dst(%dma_wait3A_57 : memref<56x224xf32, #tpu.memory_space<hbm>>)
      tpu.yield
    }) : () -> ()
    return
  }
}

module attributes {stable_mosaic.version = 14 : i64} {
  func.func @_t_build_body(%arg0: memref<224x224xf32, #tpu.memory_space<vmem>>) attributes {dimension_semantics = [], scalar_prefetch = 0 : i64, scratch_operands = 0 : i64, tpu.core_type = #tpu.core_type<tc>} {
    %iota3A = tpu.iota {dimensions = array<i32: 0>} : vector<224x224xi32>
    %convert_element_type3A = arith.sitofp %iota3A : vector<224x224xi32> to vector<224x224xf32>
    %iota3A_0 = tpu.iota {dimensions = array<i32: 1>} : vector<224x224xi32>
    %convert_element_type3A_1 = arith.sitofp %iota3A_0 : vector<224x224xi32> to vector<224x224xf32>
    %sub3A = arith.subf %convert_element_type3A, %convert_element_type3A_1 : vector<224x224xf32>
    %abs3A = math.absf %sub3A : vector<224x224xf32>
    %le3A = arith.constant 1.100000e+01 : f32
    %le3A_2 = vector.broadcast %le3A : f32 to vector<224x224xf32>
    %le3A_3 = arith.cmpf ole, %abs3A, %le3A_2 : vector<224x224xf32>
    %mul3A = arith.mulf %sub3A, %sub3A : vector<224x224xf32>
    %mul3A_4 = arith.constant -0.055555556 : f32
    %mul3A_5 = vector.broadcast %mul3A_4 : f32 to vector<224x224xf32>
    %mul3A_6 = arith.mulf %mul3A, %mul3A_5 : vector<224x224xf32>
    %exp3A = math.exp %mul3A_6 : vector<224x224xf32>
    %mul3A_7 = arith.constant 0.13299641 : f32
    %mul3A_8 = vector.broadcast %mul3A_7 : f32 to vector<224x224xf32>
    %mul3A_9 = arith.mulf %exp3A, %mul3A_8 : vector<224x224xf32>
    %jit3A = arith.constant 0.000000e+00 : f32
    %broadcast_in_dim3A = vector.broadcast %jit3A : f32 to vector<224x224xf32>
    %select_n3A = arith.select %le3A_3, %mul3A_9, %broadcast_in_dim3A : vector<224x224xi1>, vector<224x224xf32>
    %swap3A = arith.constant 0 : index
    %swap3A_10 = arith.constant 0 : index
    %swap3A_11 = vector.load %arg0[%swap3A, %swap3A_10] : memref<224x224xf32, #tpu.memory_space<vmem>>, vector<224x224xf32>
    tpu.vector_store %arg0[%swap3A, %swap3A_10], %select_n3A {strides = array<i32>} : memref<224x224xf32, #tpu.memory_space<vmem>>, vector<224x224xf32>,
    return
  }
}

module attributes {stable_mosaic.version = 14 : i64} {
  func.func @_tc_blur_body(%arg0: i32, %arg1: memref<224x224xf32, #tpu.memory_space<vmem>>, %arg2: memref<1792x224xf32, #tpu.memory_space<any>>, %arg3: memref<1x224x224xf32, #tpu.memory_space<vmem>>, %arg4: memref<2x224x224xf32, #tpu.memory_space<vmem>>, %arg5: memref<2x!tpu.dma_semaphore, #tpu.memory_space<semaphore_mem>>) attributes {dimension_semantics = [#tpu.dimension_semantics<arbitrary>], iteration_bounds = array<i64: 8>, scalar_prefetch = 0 : i64, scratch_operands = 2 : i64, tpu.core_type = #tpu.core_type<tc>, window_params = [{pipeline_mode = #tpu.pipeline_mode<synchronous>, transform_indices = @transform_0, window_bounds = array<i64: 224, 224>}, {}, {transform_indices = @transform_2, window_bounds = array<i64: 1, 224, 224>}]} {
    %rem3A = arith.constant 2 : i32
    %rem3A_0 = arith.remsi %arg0, %rem3A : i32
    %sub3A = arith.constant 1 : i32
    %sub3A_1 = arith.subi %sub3A, %rem3A_0 : i32
    %eq3A = arith.constant 0 : i32
    %eq3A_2 = arith.cmpi eq, %arg0, %eq3A : i32
    %convert_element_type3A = arith.extui %eq3A_2 : i1 to i32
    %cond3A = arith.constant 0 : i32
    %cond3A_3 = arith.cmpi ne, %convert_element_type3A, %cond3A : i32
    scf.if %cond3A_3 {
      %dma_start3A = arith.constant 0 : i32
      %dma_start3A_32 = arith.constant 0 : i32
      %dma_start3A_33 = tpu.memref_slice %arg5[%dma_start3A_32] : memref<2x!tpu.dma_semaphore, #tpu.memory_space<semaphore_mem>> -> memref<1x!tpu.dma_semaphore, #tpu.memory_space<semaphore_mem>>
      %dma_start3A_34 = tpu.memref_squeeze %dma_start3A_33 : memref<1x!tpu.dma_semaphore, #tpu.memory_space<semaphore_mem>> -> memref<!tpu.dma_semaphore, #tpu.memory_space<semaphore_mem>>
      %dma_start3A_35 = arith.constant 0 : i32
      %dma_start3A_36 = arith.constant 0 : i32
      %dma_start3A_37 = tpu.memref_slice %arg4[%dma_start3A, %dma_start3A_35, %dma_start3A_36] : memref<2x224x224xf32, #tpu.memory_space<vmem>> -> memref<1x224x224xf32, #tpu.memory_space<vmem>>
      %dma_start3A_38 = tpu.memref_squeeze %dma_start3A_37 : memref<1x224x224xf32, #tpu.memory_space<vmem>> -> memref<224x224xf32, #tpu.memory_space<vmem>>
      %dma_start3A_39 = arith.constant 0 : i32
      %dma_start3A_40 = arith.constant 0 : i32
      %dma_start3A_41 = tpu.memref_slice %arg2[%dma_start3A_39, %dma_start3A_40] : memref<1792x224xf32, #tpu.memory_space<any>> -> memref<224x224xf32, #tpu.memory_space<any>>
      tpu.enqueue_dma source(%dma_start3A_41 : memref<224x224xf32, #tpu.memory_space<any>>) target(%dma_start3A_38 : memref<224x224xf32, #tpu.memory_space<vmem>>) target_semaphore(%dma_start3A_34 : memref<!tpu.dma_semaphore, #tpu.memory_space<semaphore_mem>>)
    } else {
    }
    %add3A = arith.constant 1 : i32
    %add3A_4 = arith.addi %arg0, %add3A : i32
    %lt3A = arith.constant 8 : i32
    %lt3A_5 = arith.cmpi slt, %add3A_4, %lt3A : i32
    %convert_element_type3A_6 = arith.extui %lt3A_5 : i1 to i32
    %cond3A_7 = arith.constant 0 : i32
    %cond3A_8 = arith.cmpi ne, %convert_element_type3A_6, %cond3A_7 : i32
    scf.if %cond3A_8 {
      %add3A_32 = arith.constant 1 : i32
      %add3A_33 = arith.addi %arg0, %add3A_32 : i32
      %mul3A_34 = arith.constant 224 : i32
      %mul3A_35 = arith.muli %add3A_33, %mul3A_34 : i32
      %dma_start3A = tpu.memref_slice %arg5[%sub3A_1] : memref<2x!tpu.dma_semaphore, #tpu.memory_space<semaphore_mem>> -> memref<1x!tpu.dma_semaphore, #tpu.memory_space<semaphore_mem>>
      %dma_start3A_36 = tpu.memref_squeeze %dma_start3A : memref<1x!tpu.dma_semaphore, #tpu.memory_space<semaphore_mem>> -> memref<!tpu.dma_semaphore, #tpu.memory_space<semaphore_mem>>
      %dma_start3A_37 = arith.constant 0 : i32
      %dma_start3A_38 = arith.constant 0 : i32
      %dma_start3A_39 = tpu.memref_slice %arg4[%sub3A_1, %dma_start3A_37, %dma_start3A_38] : memref<2x224x224xf32, #tpu.memory_space<vmem>> -> memref<1x224x224xf32, #tpu.memory_space<vmem>>
      %dma_start3A_40 = tpu.memref_squeeze %dma_start3A_39 : memref<1x224x224xf32, #tpu.memory_space<vmem>> -> memref<224x224xf32, #tpu.memory_space<vmem>>
      %dma_start3A_41 = arith.constant 0 : i32
      %dma_start3A_42 = tpu.memref_slice %arg2[%mul3A_35, %dma_start3A_41] : memref<1792x224xf32, #tpu.memory_space<any>> -> memref<224x224xf32, #tpu.memory_space<any>>
      tpu.enqueue_dma source(%dma_start3A_42 : memref<224x224xf32, #tpu.memory_space<any>>) target(%dma_start3A_40 : memref<224x224xf32, #tpu.memory_space<vmem>>) target_semaphore(%dma_start3A_36 : memref<!tpu.dma_semaphore, #tpu.memory_space<semaphore_mem>>)
    } else {
    }
    %mul3A = arith.constant 224 : i32
    %mul3A_9 = arith.muli %arg0, %mul3A : i32
    %dma_wait3A = tpu.memref_slice %arg5[%rem3A_0] : memref<2x!tpu.dma_semaphore, #tpu.memory_space<semaphore_mem>> -> memref<1x!tpu.dma_semaphore, #tpu.memory_space<semaphore_mem>>
    %dma_wait3A_10 = tpu.memref_squeeze %dma_wait3A : memref<1x!tpu.dma_semaphore, #tpu.memory_space<semaphore_mem>> -> memref<!tpu.dma_semaphore, #tpu.memory_space<semaphore_mem>>
    %dma_wait3A_11 = arith.constant 0 : i32
    %dma_wait3A_12 = arith.constant 0 : i32
    %dma_wait3A_13 = tpu.memref_slice %arg4[%rem3A_0, %dma_wait3A_11, %dma_wait3A_12] : memref<2x224x224xf32, #tpu.memory_space<vmem>> -> memref<1x224x224xf32, #tpu.memory_space<vmem>>
    %dma_wait3A_14 = tpu.memref_squeeze %dma_wait3A_13 : memref<1x224x224xf32, #tpu.memory_space<vmem>> -> memref<224x224xf32, #tpu.memory_space<vmem>>
    %dma_wait3A_15 = arith.constant 0 : i32
    %dma_wait3A_16 = tpu.memref_slice %arg2[%mul3A_9, %dma_wait3A_15] : memref<1792x224xf32, #tpu.memory_space<any>> -> memref<224x224xf32, #tpu.memory_space<any>>
    tpu.wait_dma2 semaphore(%dma_wait3A_10 : memref<!tpu.dma_semaphore, #tpu.memory_space<semaphore_mem>>) src(%dma_wait3A_16 : memref<224x224xf32, #tpu.memory_space<any>>) dst(%dma_wait3A_14 : memref<224x224xf32, #tpu.memory_space<vmem>>)
    %get3A = arith.constant 0 : index
    %get3A_17 = arith.constant 0 : index
    %get3A_18 = vector.load %arg1[%get3A, %get3A_17] : memref<224x224xf32, #tpu.memory_space<vmem>>, vector<224x224xf32>
    %get3A_19 = arith.index_cast %rem3A_0 : i32 to index
    %get3A_20 = arith.constant 0 : index
    %get3A_21 = arith.constant 0 : index
    %get3A_22 = vector.load %arg4[%get3A_19, %get3A_20, %get3A_21] : memref<2x224x224xf32, #tpu.memory_space<vmem>>, vector<1x224x224xf32>
    %get3A_23 = vector.shape_cast %get3A_22 : vector<1x224x224xf32> to vector<224x224xf32>
    %dot_general3A = arith.constant dense<0.000000e+00> : vector<224x224xf32>
    %dot_general3A_24 = tpu.matmul %get3A_18, %get3A_23, %dot_general3A {dimension_numbers = #tpu.dot_dimension_numbers<[1], [0], [0], [1], [0, 0, 1, 1], [], []>, transpose_lhs_hint = false} : vector<224x224xf32>, vector<224x224xf32>, vector<224x224xf32> -> vector<224x224xf32>
    %dot_general3A_25 = arith.constant dense<0.000000e+00> : vector<224x224xf32>
    %dot_general3A_26 = tpu.matmul %dot_general3A_24, %get3A_18, %dot_general3A_25 {dimension_numbers = #tpu.dot_dimension_numbers<[1], [0], [0], [1], [0, 0, 1, 1], [], []>, transpose_lhs_hint = false} : vector<224x224xf32>, vector<224x224xf32>, vector<224x224xf32> -> vector<224x224xf32>
    %swap3A = arith.constant 0 : index
    %swap3A_27 = arith.constant 0 : index
    %swap3A_28 = arith.constant 0 : index
    %swap3A_29 = vector.load %arg3[%swap3A, %swap3A_27, %swap3A_28] : memref<1x224x224xf32, #tpu.memory_space<vmem>>, vector<1x224x224xf32>
    %swap3A_30 = vector.shape_cast %swap3A_29 : vector<1x224x224xf32> to vector<224x224xf32>
    %swap3A_31 = vector.shape_cast %dot_general3A_26 : vector<224x224xf32> to vector<1x224x224xf32>
    tpu.vector_store %arg3[%swap3A, %swap3A_27, %swap3A_28], %swap3A_31 {strides = array<i32>} : memref<1x224x224xf32, #tpu.memory_space<vmem>>, vector<1x224x224xf32>,
    return
  }
  func.func @transform_0(%arg0: i32) -> (i32, i32) {
    %c0_i32 = arith.constant 0 : i32
    %c0_i32_0 = arith.constant 0 : i32
    %c0_i32_1 = arith.constant 0 : i32
    return %c0_i32, %c0_i32_0 : i32, i32
  }
  func.func @transform_2(%arg0: i32) -> (i32, i32, i32) {
    %c0_i32 = arith.constant 0 : i32
    %c0_i32_0 = arith.constant 0 : i32
    %c0_i32_1 = arith.constant 0 : i32
    return %arg0, %c0_i32, %c0_i32_0 : i32, i32, i32
  }
}

</mosaic_0001>

<sc_bundles>
// kernel: kernel.5.cloned.1.call-start
scs
__scs_entry_jumppad:
0x0: {  	(pc) =	sbr.rel $0x88, $3  }
0x1: {  	(tag) =	ssettag $0x0;
	lr =	simm.s32 $0x1  }
0x2: {  	[smem:$0x3FA0] =	sst lr;
	_ =	strace $0xD0000000  }
0x3: {  	_ = 	snop  }
0x4: {  	_ = 	snop  }
0x5: {  	_ = 	snop  }
0x6: {  	_ = 	snop  }
0x7: {  	_ = 	snop  }
__scs_overlays_trampoline_lowered:
0x8: {  	[smem:$0x3FAF] =	sst s0  }
0x9: {  	[smem:$0x3FB0] =	sst s1  }
0xa: {  	[smem:$0x3FB1] =	sst s2  }
0xb: {  	[smem:$0x3FB2] =	sst s3  }
0xc: {  	[smem:$0x3FB3] =	sst s4  }
0xd: {  	[smem:$0x3FB4] =	sst s5  }
0xe: {  	[smem:$0x3FB5] =	sst s6  }
0xf: {  	[smem:$0x3FB6] =	sst s7  }
0x10: {  	[smem:$0x3FB7] =	sst s8  }
0x11: {  	[smem:$0x3FB8] =	sst s9;
	s0 =	simm.s32 @!p0 $0x0  }
0x12: {  	s1 =	sld [smem:$0x3F9E];
	s0 =	simm.s32 @p0 $0x1  }
0x13: {  	[smem:$0x3FB9] =	sst s0;
	s0 =	simm.s32 @!p1 $0x0  }
0x14: {  	s2 =	sld [smem:$0x3F9D];
	s0 =	simm.s32 @p1 $0x1  }
0x15: {  	[smem:$0x3FBA] =	sst s0;
	s0 =	simm.s32 @!p2 $0x0  }
0x16: {  	s3 =	sld [smem:$0x3FDB];
	s0 =	simm.s32 @p2 $0x1  }
0x17: {  	s4 =	simm.s32 $0x1BF5;
	[smem:$0x3FBC] =	sst s0  }
0x18: {  	s0 =	sld [smem:$0x3F9F];
	_ =	swait.ge [sflag:s4], $0x0  }
0x19: {  	s7 =	sld [smem:$0x3FA0]  }
0x1a: {  	s8 =	sadd.s32 $0xFFFFE003, lr  }
0x1b: {  	s9 =	sadd.s32 $0xFFFFFEF7, lr;
	s5 =	simm.s32 $0xFFFFFFFF;
	p2 =	slt.u32 s8, $0xFFFFF086  }
0x1c: {  	p1 =	slt.u32 s9, $0xF7A;
	s5 =	simm.s32 @!p2 $0x0  }
0x1d: {  	s5 =	simm.s32 @p1 $0x1;
	p0 =	seq.s32 s7, s2  }
0x1e: {  	s7 =	smul.u32 @!p0 $0xF7A, s2;
	p2 =	seq.s32 @!p0 s5, $0x0  }
0x1f: {  	s9 =	smul.u32 $0xF7A, s1;
	s8 =	simm.s32 @!p0 $0x1BF5;
	p2 =	por !p2, p0  }
0x20: {  	[sflag:s8] =	ssyncset.s32 @!p0 $0xFFFFF086;
	s6 =	sadd.s32 @!p0 s3, s7;
	s7 =	simm.s32 @!p0 $0x108  }
0x21: {  	s3 =	sadd.s32 s3, s9;
	s6 =	sadd.s32 @!p0 $0x88, s6;
	s7 =	simm.s32 @p2 $0x1082  }
0x22: {  	[simem:s7], [sflag:s8] =	dma.local @!p0 [hbm:s6], $0xF7A  }
0x23: {  	s9 =	sor.u32 $0xD0000000, s2;
	s6 =	simm.s32 $0x108;
	_ =	swait.ge @!p0 [sflag:s8], $0x0  }
0x24: {  	s3 =	sadd.s32 $0x88, s3;
	s6 =	simm.s32 @!p1 $0x1082;
	[sflag:s4] =	ssyncset.s32 $0xFFFFF086  }
0x25: {  	[simem:s6], [sflag:s4] =	dma.local [hbm:s3], $0xF7A  }
0x26: {  	[smem:$0x3FA0] =	sst s1;
	(tag) =	ssettag s2;
	_ =	strace s9  }
0x27: {  	s1 =	sld [smem:$0x3FB0]  }
0x28: {  	s2 =	sld [smem:$0x3FB1]  }
0x29: {  	s4 =	sld [smem:$0x3FB3]  }
0x2a: {  	p0 =	seq.s32 s5, $0x0;
	s5 =	sld [smem:$0x3FB4]  }
0x2b: {  	s6 =	sld [smem:$0x3FB5]  }
0x2c: {  	s7 =	sld [smem:$0x3FB6]  }
0x2d: {  	s3 =	simm.s32 $0x108;
	s8 =	sld [smem:$0x3FB7]  }
0x2e: {  	s3 =	simm.s32 @!p0 $0x1082;
	s9 =	sld [smem:$0x3FB8]  }
0x2f: {  	lr =	sadd.s32 s0, s3;
	s0 =	sld [smem:$0x3FAF]  }
0x30: {  	s3 =	sld [smem:$0x3FB2]  }
0x31: {  	[smem:$0x3FBB] =	sst s10  }
0x32: {  	s10 =	sld [smem:$0x3FB9];
	_ =	sdelay $0x3  }
0x33: {  	p0 =	seq.s32 s10, $0x1;
	s10 =	sld [smem:$0x3FBB];
	_ =	sdelay $0x3  }
0x34: {  	[smem:$0x3FBB] =	sst s10  }
0x35: {  	s10 =	sld [smem:$0x3FBA];
	_ =	sdelay $0x3  }
0x36: {  	p1 =	seq.s32 s10, $0x1;
	s10 =	sld [smem:$0x3FBB];
	_ =	sdelay $0x3  }
0x37: {  	[smem:$0x3FBB] =	sst s10  }
0x38: {  	s10 =	sld [smem:$0x3FBC]  }
0x39: {  	_ = 	snop;
	(pc) =	sbr.ind lr, $3  }
0x3a: {  	_ = 	snop  }
0x3b: {  	_ = 	snop  }
0x3c: {  	p2 =	seq.s32 s10, $0x1;
	s10 =	sld [smem:$0x3FBB]  }
0x3d: {  	_ =	shalt  }
0x3e: {  	_ =	shalt  }
0x3f: {  	_ =	shalt  }
0x40: {  	_ =	shalt  }
0x41: {  	_ =	shalt  }
0x42: {  	_ =	shalt  }
0x43: {  	_ =	shalt  }
0x44: {  	_ =	shalt  }
0x45: {  	_ =	shalt  }
0x46: {  	_ =	shalt  }
0x47: {  	_ =	shalt  }
0x48: {  	_ =	shalt  }
0x49: {  	_ =	shalt  }
0x4a: {  	_ =	shalt  }
0x4b: {  	_ =	shalt  }
0x4c: {  	_ =	shalt  }
0x4d: {  	_ =	shalt  }
0x4e: {  	_ =	shalt  }
0x4f: {  	_ =	shalt  }
0x50: {  	_ =	shalt  }
0x51: {  	_ =	shalt  }
0x52: {  	_ =	shalt  }
0x53: {  	_ =	shalt  }
0x54: {  	_ =	shalt  }
0x55: {  	_ =	shalt  }
0x56: {  	_ =	shalt  }
0x57: {  	_ =	shalt  }
0x58: {  	_ =	shalt  }
0x59: {  	_ =	shalt  }
0x5a: {  	_ =	shalt  }
0x5b: {  	_ =	shalt  }
0x5c: {  	_ =	shalt  }
0x5d: {  	_ =	shalt  }
0x5e: {  	_ =	shalt  }
0x5f: {  	_ =	shalt  }
0x60: {  	_ =	shalt  }
0x61: {  	_ =	shalt  }
0x62: {  	_ =	shalt  }
0x63: {  	_ =	shalt  }
0x64: {  	_ =	shalt  }
0x65: {  	_ =	shalt  }
0x66: {  	_ =	shalt  }
0x67: {  	_ =	shalt  }
0x68: {  	_ =	shalt  }
0x69: {  	_ =	shalt  }
0x6a: {  	_ =	shalt  }
0x6b: {  	_ =	shalt  }
0x6c: {  	_ =	shalt  }
0x6d: {  	_ =	shalt  }
0x6e: {  	_ =	shalt  }
0x6f: {  	_ =	shalt  }
0x70: {  	_ =	shalt  }
0x71: {  	_ =	shalt  }
0x72: {  	_ =	shalt  }
0x73: {  	_ =	shalt  }
0x74: {  	_ =	shalt  }
0x75: {  	_ =	shalt  }
0x76: {  	_ =	shalt  }
0x77: {  	_ =	shalt  }
0x78: {  	_ =	shalt  }
0x79: {  	_ =	shalt  }
0x7a: {  	_ =	shalt  }
0x7b: {  	_ =	shalt  }
0x7c: {  	_ =	shalt  }
0x7d: {  	_ =	shalt  }
0x7e: {  	_ =	shalt  }
0x7f: {  	_ =	shalt  }
0x80: {  	_ =	shalt  }
0x81: {  	_ =	shalt  }
0x82: {  	_ =	shalt  }
0x83: {  	_ =	shalt  }
0x84: {  	_ =	shalt  }
0x85: {  	_ =	shalt  }
0x86: {  	_ =	shalt  }
0x87: {  	_ =	shalt  }
.Lfunc_end0:
.L_simem_size_0:
called_computation_lowered:
.L_overlay_start_0:
0x88: {  	s2 =	sld [smem:$0x3FD9]  }
0x89: {  	s3 =	sld [smem:$0x3FFE];
	_ =	sdelay $0x1  }
0x8a: {  	s1 =	srdreg.scid  }
0x8b: {  	s0 =	sand.u32 $0x1, s1  }
0x8c: {  	s17 =	sshll.u32 s0, $0xA;
	s2 =	sadd.s32 s3, s2  }
0x8d: {  	s2 =	sadd.s32 s2, s17  }
0x8e: {  	[smem:$0x3FC7] =	sst s2  }
0x8f: {  	_ = 	snop  }
0x90: {  	s2 =	sld [smem:$0x3FD0];
	(tm) =	ssettm $0x1  }
0x91: {  	s18 =	sld [smem:$0x3FFB];
	_ =	sdelay $0x3  }
0x92: {  	_ =	strace s18  }
0x93: {  	s3 =	sld [smem:$0x3FFC];
	_ =	sdelay $0x3  }
0x94: {  	_ =	strace s3  }
0x95: {  	s3 =	sld [smem:$0x3FFD];
	_ =	sdelay $0x3  }
0x96: {  	_ =	strace s3  }
0x97: {  	_ =	strace $0x8FFFFFFF  }
0x98: {  	s19 =	sld [smem:$0x3FDB];
	_ =	sdelay $0x1  }
0x99: {  	s4 =	simm.s32 $_scs_section_size  }
0x9a: {  	s5 =	simm.s32 $_size__tile_overlayer_lowered;
	s6 =	simm.s32 $_tile_overlayer_lowered  }
0x9b: {  	s22 =	simm.s32 $0x1BFF;
	s21 =	sshll.u32 s6, $0x1;
	s3 =	sadd.s32 s4, s19  }
0x9c: {  	s7 =	simm.s32 $0x0;
	s20 =	sshll.u32 s5, $0x1;
	s5 =	sadd.s32 s21, s3  }
0x9d: {  	[timem:s7], [sflag:s22] =	dma.local [hbm:s5], s20  }
0x9e: {  	_ =	swait.ge [sflag:s22], s20  }
0x9f: {  	s4 =	ssub.s32 $0x0, s20;
	[sflag:s22] =	ssyncset.done $0x0  }
0xa0: {  	[sflag:s22] =	ssyncadd.s32 s4;
	_ =	sdelay $0x1  }
0xa1: {  	s23 =	simm.s32 $0x1B8B  }
0xa2: {  	_ =	swait.ge [sflag:s23], $0x1  }
0xa3: {  	[sflag:s23] =	ssyncset.done $0x0  }
0xa4: {  	s25 =	simm.s32 $0x1B8E;
	s24 =	sld [smem:$0x3FFE];
	[sflag:s23] =	ssyncadd.s32 $0xFFFFFFFF  }
0xa5: {  	s26 =	simm.s32 $execute0_lowered;
	[smem:$0x3FD2] =	sst s25  }
0xa6: {  	s5 =	sshll.u32 s26, $0x1;
	_ =	strace $0x80000046;
	[dreg:$0x1] =	wrdreg $0xFFFFFFFF  }
0xa7: {  	s28 =	simm.s32 $_size_execute0_lowered;
	s3 =	sadd.s32 s3, s5;
	[dreg:$0x0] =	wrdreg $0x0  }
0xa8: {  	s5 =	sshll.u32 s28, $0x1;
	[dreg:$0x2] =	wrdreg s3  }
0xa9: {  	[dreg:$0x3] =	wrdreg s5  }
0xaa: {  	[dreg:$0x4] =	wrdreg $0xC0  }
0xab: {  	_ =	task [dreg:s7], $0x5FFFF  }
0xac: {  	[dreg:$0x1] =	wrdreg $0xFFFFFFFF  }
0xad: {  	[dreg:$0x0] =	wrdreg $0x60  }
0xae: {  	[dreg:$0x2] =	wrdreg s24  }
0xaf: {  	[dreg:$0x3] =	wrdreg s2  }
0xb0: {  	[dreg:$0x4] =	wrdreg $0x9  }
0xb1: {  	_ =	task.clear_ibuf [dreg:s7], $0x5FFFF;
	_ =	strace $0x90000046  }
0xb2: {  	s29 =	simm.s32 $0x9;
	_ =	strace $0x80000048  }
0xb3: {  	_ =	swait.ge [sflag:s29], $0x1  }
0xb4: {  	[sflag:s29] =	ssyncadd.s32 $0xFFFFFFFF  }
0xb5: {  	_ =	strace $0x90000048  }
0xb6: {  	_ =	sfence  }
0xb7: {  	s30 =	sld [smem:$0x0];
	_ =	sdelay $0x2  }
0xb8: {  	s31 =	sshll.u32 s1, $0xD;
	s1 =	sshrl.u32 s1, $0x2  }
0xb9: {  	s3 =	sand.u32 $0x4000, s31;
	s1 =	sadd.s32 s1, s30  }
0xba: {  	s0 =	sor.u32 s3, s0;
	s1 =	sshll.u32 s1, $0x11  }
0xbb: {  	s0 =	sor.u32 s1, s0  }
0xbc: {  	s0 =	sadd.s32 $0x8F2B, s0  }
0xbd: {  	[sflag:s0] =	ssyncadd.remote.s32 $0x1  }
0xbe: {  	_ =	sfence.sel $0xFFFF  }
0xbf: {  	[dreg:$0x0] =	wrdreg $0xFFFFFFFF;
	(pc) =	sbr.abs _section_cstart, $3  }
0xc0: {  	[dreg:$0x1] =	wrdreg $0xFFFFFFFF  }
0xc1: {  	_ =	task.clear_ibuf [dreg:s7], $0x2FFFF;
	_ =	strace $0x9FFFFFFF  }
0xc2: {  	(tm) =	ssettm $0x7FFFFFFF  }
0xc3: {  	_ =	shalt  }
tec
execute0_lowered:
.L_overlay_start_1:
0x0: {  	(tag) =	ssettag $0x1  }
0x1: {  	s3 =	rddreg [dreg:$0x0]  }
0x2: {  	s5 =	rddreg [dreg:$0x1]  }
0x3: {  	s2 =	srdreg.scid;
	s0 =	rddreg [dreg:$0x2]  }
0x4: {  	s1 =	stileid.u32;
	s10 =	simm.s32 $0x800;
	s11 =	simm.s32 $0x0  }
0x5: {  	s4 =	sand.u32 $0x1, s2;
	s7 =	sshrl.u32 s1, $0x2;
	s8 =	sand.u32 $0x3, s1  }
0x6: {  	s2 =	simm.s32 $0x0;
	s6 =	sshll.u32 s4, $0x2;
	s9 =	smul.u32 $0x38, s8  }
0x7: {  	[smem:$0x7FF] =	sst s2;
	s4 =	ssub.s32 $0x2, s4;
	s6 =	sor.u32 s7, s6  }
0x8: {  	s31 =	sshrl.u32 s4, $0x1;
	s7 =	smul.u32 $0xE0, s6;
	s6 =	sshll.u32 s6, $0x4  }
0x9: {  	_ =	strace $0x80000047;
	s8 =	ssub.s32 s4, s31;
	s6 =	sadd.s32 s6, s3  }
0xa: {  	s7 =	sadd.s32 s9, s7;
	s3 =	sadd.s32 $0x600, s6;
	s4 =	sadd.s32 $0xA00, s6  }
0xb: {  	s6 =	smax.u32 s8, $0x1;
	s8 =	simm.s32 $0x400;
	s7 =	sshll.u32 s7, $0x5  }
0xc: {  	v1 =	vimm.f32 $0.0e+00;
	v2 =	vimm.f32 $1.000000000e+00;
	v0 =	vmov s9;
	s9 =	simm.s32 $0x1;
	s5 =	sadd.s32 s5, s7;
	s7 =	simm.s32 $0x80  }
.LBB2_1:
0xd: {  	[tilespmem:s2], [sflag:$0x1] =	stream.strided.gather [hbm4b:s3+s7], $0x400, s8, s7, $0x38;
	[tilespmem:$0x4000] =	vst v63  }
0xe: {  	_ =	swait.ge [sflag:s9], $0x400  }
0xf: {  	[sflag:s9] =	ssyncset.done $0x0  }
0x10: {  	[sflag:s9] =	ssyncadd.s32 $0xFFFFFC00  }
0x11: {  	[tilespmem:s8], [sflag:$0x1] =	stream.strided.gather [hbm4b:s4+s7], $0x400, s8, s7, $0x38;
	[tilespmem:$0x4000] =	vst v63  }
0x12: {  	_ =	swait.ge [sflag:s9], $0x400  }
0x13: {  	s12 =	sand.u32 $0x3800, s2;
	s13 =	sand.u32 $0x380, s2;
	[sflag:s9] =	ssyncset.done $0x0  }
0x14: {  	s12 =	sor.u32 s13, s12;
	[sflag:s9] =	ssyncadd.s32 $0xFFFFFC00  }
0x15: {  	[tilespmem:s12+$0xC50] =	vst v1  }
0x16: {  	[tilespmem:s12+$0x800] =	vst v1  }
0x17: {  	[tilespmem:s12+$0x810] =	vst v1  }
0x18: {  	[tilespmem:s12+$0x820] =	vst v1  }
0x19: {  	[tilespmem:s12+$0x830] =	vst v1  }
0x1a: {  	[tilespmem:s12+$0x840] =	vst v1  }
0x1b: {  	[tilespmem:s12+$0x850] =	vst v1  }
0x1c: {  	[tilespmem:s12+$0x860] =	vst v1  }
0x1d: {  	[tilespmem:s12+$0x870] =	vst v1  }
0x1e: {  	[tilespmem:s12+$0xC00] =	vst v1  }
0x1f: {  	[tilespmem:s12+$0xC10] =	vst v1  }
0x20: {  	s14 =	simm.s32 $0x100;
	s13 =	simm.s32 $0x80;
	[tilespmem:s12+$0xC20] =	vst v1  }
0x21: {  	s15 =	sand.u32 $0x3800, s14;
	s14 =	simm.s32 $0x200;
	s16 =	sand.u32 $0x380, s13;
	[tilespmem:s12+$0xC30] =	vst v1  }
.LBB2_2:
0x22: {  	p0 =	sne.s32 s14, $0x3700;
	[tilespmem:s12+$0xC40] =	vst v1;
	s12 =	sor.u32 s16, s15  }
0x23: {  	[tilespmem:s12+$0xC50] =	vst v1  }
0x24: {  	[tilespmem:s12+$0x800] =	vst v1  }
0x25: {  	[tilespmem:s12+$0x810] =	vst v1  }
0x26: {  	[tilespmem:s12+$0x820] =	vst v1  }
0x27: {  	[tilespmem:s12+$0x830] =	vst v1  }
0x28: {  	[tilespmem:s12+$0x840] =	vst v1  }
0x29: {  	[tilespmem:s12+$0x850] =	vst v1  }
0x2a: {  	[tilespmem:s12+$0x860] =	vst v1  }
.Ltmp0:
0x2b: {  	[tilespmem:s12+$0x870] =	vst v1;
	(pc) =	sbr.rel @p0 .LBB2_2-.Ltmp0, $4  }
0x2c: {  	[tilespmem:s12+$0xC00] =	vst v1  }
0x2d: {  	[tilespmem:s12+$0xC10] =	vst v1  }
0x2e: {  	s13 =	sadd.s32 $0x80, s13;
	[tilespmem:s12+$0xC20] =	vst v1  }
0x2f: {  	s15 =	sand.u32 $0x3800, s14;
	s14 =	sadd.s32 $0x100, s14;
	s16 =	sand.u32 $0x380, s13;
	[tilespmem:s12+$0xC30] =	vst v1  }
0x30: {  	s13 =	sor.u32 s16, s15;
	[tilespmem:s12+$0xC40] =	vst v1  }
0x31: {  	[tilespmem:s13+$0xC50] =	vst v1  }
0x32: {  	[tilespmem:s13+$0x800] =	vst v1  }
0x33: {  	[tilespmem:s13+$0x810] =	vst v1  }
0x34: {  	[tilespmem:s13+$0x820] =	vst v1  }
0x35: {  	[tilespmem:s13+$0x830] =	vst v1  }
0x36: {  	[tilespmem:s13+$0x840] =	vst v1  }
0x37: {  	[tilespmem:s13+$0x850] =	vst v1  }
0x38: {  	[tilespmem:s13+$0x860] =	vst v1  }
0x39: {  	[tilespmem:s13+$0x870] =	vst v1  }
0x3a: {  	[tilespmem:s13+$0xC00] =	vst v1  }
0x3b: {  	[tilespmem:s13+$0xC10] =	vst v1  }
0x3c: {  	[tilespmem:s13+$0xC20] =	vst v1  }
0x3d: {  	[tilespmem:s13+$0xC30] =	vst v1  }
0x3e: {  	s12 =	simm.s32 $0x40;
	[tilespmem:s13+$0xC40] =	vst v1;
	s13 =	simm.s32 $0x0  }
.LBB2_4:
0x3f: {  	p0 =	sne.s32 s12, $0xFC0;
	v3 =	vld [tilespmem:s13+$0x400];
	_ =	sdelay $0x2  }
0x40: {  	v4 =	vld [tilespmem:s13+$0x0];
	_ =	sdelay $0x1  }
0x41: {  	v3 =	vmul.f32 $2.240000000e+02, v3;
	_ =	sdelay $0x1  }
0x42: {  	v3 =	vtrunc.f32 v3  }
0x43: {  	v4 =	vmul.f32 $2.240000000e+02, v4;
	v3 =	vcvt.f32.s32 v3;
	_ =	sdelay $0x1  }
0x44: {  	v4 =	vtrunc.f32 v4;
	v3 =	vsub.s32 v3, v0  }
0x45: {  	v4 =	vcvt.f32.s32 v4;
	vm0 =	vlt.u32 v3, $0x38  }
0x46: {  	v3 =	vnsel vm0, $0x0, v3  }
0x47: {  	v5 =	vshll.u32 v3, $0x8;
	v6 =	vshll.u32 v4, $0x3  }
0x48: {  	v3 =	vshll.u32 v3, $0x7;
	v5 =	vand.u32 $0xFFFFF800, v5;
	v6 =	vand.u32 $0xFFFFFC00, v6  }
0x49: {  	v3 =	vand.u32 $0x380, v3;
	v5 =	vadd.s32 v6, v5  }
0x4a: {  	v4 =	vand.u32 $0x7F, v4;
	v3 =	vor.u32 v3, v5  }
0x4b: {  	v3 =	vor.u32 v4, v3  }
.Ltmp1:
0x4c: {  	(pc) =	sbr.rel @p0 .LBB2_4-.Ltmp1, $2  }
0x4d: {  	_ =	sdelay $0x2  }
0x4e: {  	s13 =	sshra.s32 s12, $0x2;
	s12 =	sadd.s32 $0x40, s12;
	[tilespmem:v3+s10+$0x0] =	vst.idx.add.f32.msk vm0, v2  }
0x4f: {  	v3 =	vld [tilespmem:s13+$0x400];
	_ =	sdelay $0x2  }
0x50: {  	v4 =	vld [tilespmem:s13+$0x0];
	_ =	sdelay $0x1  }
0x51: {  	v3 =	vmul.f32 $2.240000000e+02, v3;
	_ =	sdelay $0x1  }
0x52: {  	v3 =	vtrunc.f32 v3  }
0x53: {  	v4 =	vmul.f32 $2.240000000e+02, v4;
	v3 =	vcvt.f32.s32 v3;
	_ =	sdelay $0x1  }
0x54: {  	v4 =	vtrunc.f32 v4;
	v3 =	vsub.s32 v3, v0  }
0x55: {  	v4 =	vcvt.f32.s32 v4;
	vm0 =	vlt.u32 v3, $0x38  }
0x56: {  	v3 =	vnsel vm0, $0x0, v3  }
0x57: {  	v6 =	vshll.u32 v4, $0x3;
	v5 =	vshll.u32 v3, $0x8  }
0x58: {  	v6 =	vand.u32 $0xFFFFFC00, v6;
	v3 =	vshll.u32 v3, $0x7;
	v5 =	vand.u32 $0xFFFFF800, v5  }
0x59: {  	v3 =	vand.u32 $0x380, v3;
	v5 =	vadd.s32 v6, v5  }
0x5a: {  	v4 =	vand.u32 $0x7F, v4;
	v3 =	vor.u32 v3, v5  }
0x5b: {  	v3 =	vor.u32 v4, v3;
	_ =	sdelay $0x2  }
0x5c: {  	s11 =	sadd.s32 $0x1, s11  }
0x5d: {  	p0 =	sne.s32 s11, s6  }
.Ltmp2:
0x5e: {  	[tilespmem:v3+s10+$0x0] =	vst.idx.add.f32.msk vm0, v2;
	(pc) =	sbr.rel @p0 .LBB2_1-.Ltmp2, $4  }
0x5f: {  	[hbm4b:s5+s2] =	stream.linear.scatter [tilespmem:s10], [sflag:$0x1], $0x3800, $0x38;
	[tilespmem:$0x4000] =	vst v63  }
0x60: {  	_ =	swait.ge [sflag:s9], $0x3800  }
0x61: {  	[sflag:s9] =	ssyncset.done $0x0  }
0x62: {  	[sflag:s9] =	ssyncadd.s32 $0xFFFFC800  }
0x63: {  	_ =	sfence.sel $0x180000  }
0x64: {  	[bflag:$0x0] =	sbarrier.arrive $0xFFFF  }
0x65: {  	p0 =	sne.s32 s1, $0x0;
	_ =	strace $0x90000047  }
0x66: {  	s0 =	sadd.s32 @!p0 $0x100000, s0;
	[bflag:$0x2] =	sbarrier.arrive $0xFFFF  }
0x67: {  	[sflag:s0] =	ssyncadd.tile.s32 @!p0 $0x1;
	_ =	shalt  }
.Lfunc_end2:
_tile_overlayer_lowered:
.L_overlay_start_2:
0x68: {  	(tag) =	ssettag $0x2  }
0x69: {  	s0 =	rddreg [dreg:$0x0];
	s2 =	stileid.u32  }
0x6a: {  	s1 =	rddreg [dreg:$0x1];
	p0 =	sne.s32 s2, $0x0  }
0x6b: {  	s3 =	rddreg [dreg:$0x2];
	[bflag:$0x3] =	sbarrier.arrive $0xFFFF;
	s2 =	simm.s32 @!p0 $0x1C01  }
0x6c: {  	[timem:s3], [sflag:s2] =	dma.local @!p0 [hbm:s0], s1  }
0x6d: {  	s0 =	simm.s32 @!p0 $0x1  }
0x6e: {  	_ =	swait.ge @!p0 [sflag:s0], s1  }
0x6f: {  	s1 =	ssub.s32 @!p0 $0x0, s1;
	[sflag:s0] =	ssyncset.done @!p0 $0x0  }
0x70: {  	[sflag:s0] =	ssyncadd.s32 @!p0 s1  }
0x71: {  	[bflag:$0x3] =	sbarrier.arrive $0xFFFF  }
0x72: {  	_ =	shalt  }

</sc_bundles>
